<compile_context>
chip_gen: v7x
topology: tpu7x:2x2x1
jax: 0.10.2.dev20260603
libtpu: 0.0.44.dev20260713+nightly
codegen_flags: <defaults>
</compile_context>

<pallas_src>
import functools

import jax
import jax.numpy as jnp
from jax import lax
from jax.experimental import pallas as pl
from jax.experimental.pallas import tpu as pltpu
from jax.experimental.pallas import tpu_sc as plsc

_IOU_THR = 0.5
_SCORE_THR = 0.05
_MAX_OUT = 256
_B = 1024
_NPAD = 5120
_D = 16
_NC, _NS = 2, 16
_RPW = _NPAD // (_NC * _NS)


def _sc_gather_body(table_hbm, idx_hbm, out_hbm, idx_v, rows_v, sem):
    wid = lax.axis_index("s") * _NC + lax.axis_index("c")
    base = wid * _RPW
    pltpu.sync_copy(idx_hbm.at[pl.ds(base, _RPW)], idx_v)
    pltpu.async_copy(table_hbm.at[idx_v], rows_v, sem).wait()
    pltpu.sync_copy(rows_v, out_hbm.at[pl.ds(base, _RPW)])


@functools.cache
def _make_sc_gather():
    return functools.partial(
        pl.kernel,
        mesh=plsc.VectorSubcoreMesh(core_axis_name="c", subcore_axis_name="s"),
        compiler_params=pltpu.CompilerParams(use_tc_tiling_on_sc=False),
        out_type=jax.ShapeDtypeStruct((_NPAD, _D), jnp.float32),
        scratch_types=[
            pltpu.VMEM((_RPW,), jnp.int32),
            pltpu.VMEM((_RPW, _D), jnp.float32),
            pltpu.SemaphoreType.DMA,
        ],
    )(_sc_gather_body)


def _dot(a, b):
    return jax.lax.dot_general(
        a, b, (((1,), (0,)), ((), ())), preferred_element_type=jnp.float32)


_BIG = 1e30


def _nms_body(rows_ref, cols_ref, out_ref, supall_ref, hacol_ref, harow_ref):
    npad = rows_ref.shape[1]
    nb = npad // _B

    iu = jax.lax.broadcasted_iota(jnp.int32, (_B, _B), 0)
    it = jax.lax.broadcasted_iota(jnp.int32, (_B, _B), 1)
    tri_strict = (iu < it).astype(jnp.float32)
    eye = (iu == it).astype(jnp.float32)
    lt_incl = (iu <= it).astype(jnp.float32)
    rrank = jax.lax.broadcasted_iota(
        jnp.int32, (_MAX_OUT, _B), 0).astype(jnp.float32) + 1.0

    out_ref[...] = jnp.zeros_like(out_ref)

    def row_to_col(v):
        return jnp.sum(eye * v, axis=1, keepdims=True)

    def prologue(k, _):
        ck = cols_ref[pl.ds(k * _B, _B), :]
        third = jnp.float32(1.0 / 3.0)
        hacol_ref[pl.ds(k * _B, _B), :] = (
            third * (ck[:, 2:3] - ck[:, 0:1]) * (ck[:, 3:4] - ck[:, 1:2]))
        rk = rows_ref[:, pl.ds(k * _B, _B)]
        harow_ref[0:1, pl.ds(k * _B, _B)] = (
            third * (rk[2:3, :] - rk[0:1, :]) * (rk[3:4, :] - rk[1:2, :]))
        return 0

    jax.lax.fori_loop(0, nb, prologue, 0)

    supall_ref[...] = jnp.zeros_like(supall_ref)

    def block_step(k, count):
        rk = rows_ref[:, pl.ds(k * _B, _B)]
        ck = cols_ref[pl.ds(k * _B, _B), :]
        s_blk = rk[4:5, :]
        sxx1 = jnp.broadcast_to(ck[:, 0:1], (_B, _B))
        syy1 = jnp.broadcast_to(ck[:, 1:2], (_B, _B))
        sxx2 = jnp.broadcast_to(ck[:, 2:3], (_B, _B))
        syy2 = jnp.broadcast_to(ck[:, 3:4], (_B, _B))

        def tile_cond(rt, hat3, pa_bb):
            iw = (jnp.minimum(sxx2, rt[2:3, :])
                  - jnp.maximum(sxx1, rt[0:1, :]))
            ih = (jnp.minimum(syy2, rt[3:4, :])
                  - jnp.maximum(syy1, rt[1:2, :]))
            inter = jnp.clip(iw, 0.0) * jnp.clip(ih, 0.0)
            return inter - hat3 > pa_bb

        ha3_col = hacol_ref[pl.ds(k * _B, _B), :]
        hak3_row = harow_ref[0:1, pl.ds(k * _B, _B)]
        cond_l = tile_cond(
            rk, hak3_row, jnp.broadcast_to(ha3_col, (_B, _B)))
        o_local = jnp.where(cond_l, tri_strict, 0.0)
        sup_cross = supall_ref[0:1, pl.ds(k * _B, _B)]
        alive = jnp.where(
            (s_blk > _SCORE_THR) & (sup_cross < 0.5), 1.0, 0.0)

        def fp_cond(carry):
            _, changed = carry
            return changed

        def fp_body(carry):
            keep, _ = carry
            kc = row_to_col(keep)
            sup = jnp.max(o_local * kc, axis=0, keepdims=True)
            new = alive * (1.0 - sup)
            return new, jnp.any(new != keep)

        keep_blk, _ = jax.lax.while_loop(
            fp_cond, fp_body, (alive, jnp.bool_(True)))

        keep_col = row_to_col(keep_blk)
        pa_bb = jnp.broadcast_to(
            jnp.where(keep_col > 0.5, ha3_col, _BIG), (_B, _B))

        def scatter(f, _):
            rf = rows_ref[:, pl.ds(f * _B, _B)]
            haf3 = harow_ref[0:1, pl.ds(f * _B, _B)]
            cond = tile_cond(rf, haf3, pa_bb)
            contrib = jnp.any(cond, axis=0, keepdims=True).astype(jnp.float32)
            supall_ref[0:1, pl.ds(f * _B, _B)] = jnp.maximum(
                supall_ref[0:1, pl.ds(f * _B, _B)], contrib)
            return 0

        jax.lax.fori_loop(k + 1, nb, scatter, 0)

        local_cum = _dot(keep_blk, lt_incl)
        rank = local_cum + count
        sel = jnp.where((rank == rrank) & (keep_blk > 0.5), 1.0, 0.0)
        out_ref[...] += _dot(sel, ck[:, :8])
        return count + jnp.sum(keep_blk)

    jax.lax.fori_loop(0, nb, block_step, jnp.float32(0.0))


@jax.jit
def kernel(boxes, scores):
    n = boxes.shape[0]
    order = jnp.argsort(-scores).astype(jnp.int32)
    table = jnp.zeros((_NPAD, _D), jnp.float32)
    table = table.at[:n, 0:4].set(boxes)
    table = table.at[:n, 4].set(scores)
    idx = jnp.concatenate(
        [order, jnp.arange(n, _NPAD, dtype=jnp.int32)])
    cols = _make_sc_gather()(table, idx)
    rows = cols.T
    out8 = pl.pallas_call(
        _nms_body,
        out_shape=jax.ShapeDtypeStruct((_MAX_OUT, 8), jnp.float32),
        scratch_shapes=[
            pltpu.VMEM((8, _NPAD), jnp.float32),
            pltpu.VMEM((_NPAD, 1), jnp.float32),
            pltpu.VMEM((8, _NPAD), jnp.float32),
        ],
    )(rows, cols)
    return out8[:, :5]

# --- scband reference (transcript-rebuilt; emitter-appended) ---
"""Pipeline reference for scband-tree-rcnn-63187558859086 (READ-ONLY COPY).

The authoritative reference and input builder live on the scoring server;
editing this copy changes nothing except your own understanding.
"""

import jax, jax.numpy as jnp
import numpy as np

IOU_THR = 0.5
SCORE_THR = 0.05
MAX_OUT = 256
N = 5000


def setup_inputs(seed: int = 0) -> dict:
    key = jax.random.key(seed)
    k1, k2, k3 = jax.random.split(key, 3)
    centers = jax.random.uniform(k1, (N, 2), minval=0.0, maxval=1000.0, dtype=jnp.float32)
    sizes = jax.random.uniform(k2, (N, 2), minval=2.0, maxval=60.0, dtype=jnp.float32)
    boxes = jnp.concatenate([centers - sizes / 2.0, centers + sizes / 2.0], axis=1)
    scores = jax.random.uniform(k3, (N,), dtype=jnp.float32)
    return {"boxes": boxes, "scores": scores}


def _pairwise_iou(b):
    x1, y1, x2, y2 = b[:, 0], b[:, 1], b[:, 2], b[:, 3]
    area = (x2 - x1) * (y2 - y1)
    xx1 = jnp.maximum(x1[:, None], x1[None, :])
    yy1 = jnp.maximum(y1[:, None], y1[None, :])
    xx2 = jnp.minimum(x2[:, None], x2[None, :])
    yy2 = jnp.minimum(y2[:, None], y2[None, :])
    inter = jnp.clip(xx2 - xx1, 0.0) * jnp.clip(yy2 - yy1, 0.0)
    union = area[:, None] + area[None, :] - inter
    return inter / jnp.maximum(union, 1e-9)


def reference(boxes, scores):
    # Greedy NMS (TreeRCNN stage-2 detection suppression core):
    # sort by score desc, suppress any box with IoU > thr against an
    # already-kept higher-scoring box, emit top MAX_OUT survivors.
    order = jnp.argsort(-scores)
    b = boxes[order]
    s = scores[order]
    iou = _pairwise_iou(b)
    n = s.shape[0]
    idxs = jnp.arange(n)

    def body(i, keep):
        sup = jnp.any((iou[:, i] > IOU_THR) & keep & (idxs < i))
        ki = keep[i] & jnp.logical_not(sup) & (s[i] > SCORE_THR)
        return keep.at[i].set(ki)

    keep = jax.lax.fori_loop(0, n, body, jnp.ones((n,), dtype=bool))
    masked = jnp.where(keep, s, -1e9)
    vals, top_idx = jax.lax.top_k(masked, MAX_OUT)
    valid = vals > -1e8
    out_scores = jnp.where(valid, vals, 0.0)
    out_boxes = jnp.where(valid[:, None], b[top_idx], 0.0)
    return jnp.concatenate([out_boxes, out_scores[:, None]], axis=1)

if __name__ == "__main__":
    import jax
    _d = setup_inputs()
    print(jax.jit(kernel)(*tuple(_d.values())))

</pallas_src>

<mosaic_0001>
#map = affine_map<(d0, d1) -> (0, 0)>
#map1 = affine_map<(d0, d1) -> (0)>
module attributes {stable_mosaic.version = 14 : i64} {
  func.func @_sc_gather_body(%arg0: i32, %arg1: i32, %arg2: memref<5120x16xf32, #tpu.memory_space<hbm>>, %arg3: memref<5120xi32, #tpu.memory_space<hbm>>, %arg4: memref<5120x16xf32, #tpu.memory_space<hbm>>, %arg5: memref<160xi32, #tpu.memory_space<vmem>>, %arg6: memref<160x16xf32, #tpu.memory_space<vmem>>, %arg7: memref<!tpu.dma_semaphore, #tpu.memory_space<semaphore_mem>>) attributes {dimension_semantics = [#tpu.dimension_semantics<core_parallel>, #tpu.dimension_semantics<subcore_parallel>], iteration_bounds = array<i64: 2, 16>, scalar_prefetch = 0 : i64, scratch_operands = 3 : i64, tpu.core_type = #tpu.core_type<sc_vector_subcore>, window_params = [{transform_indices = #map}, {transform_indices = #map1}, {transform_indices = #map}]} {
    %mul3A = arith.constant 2 : i32
    %mul3A_0 = arith.muli %arg1, %mul3A : i32
    %add3A = arith.addi %mul3A_0, %arg0 : i32
    %mul3A_1 = arith.constant 160 : i32
    %mul3A_2 = arith.muli %add3A, %mul3A_1 : i32
    "tpu.region"() ({
      %run_scoped3A = tpu.sem_alloc : memref<!tpu.dma_semaphore, #tpu.memory_space<semaphore_mem>>
      %dma_start3A_7 = tpu.memref_slice %arg3[%mul3A_2] : memref<5120xi32, #tpu.memory_space<hbm>> -> memref<160xi32, #tpu.memory_space<hbm>>
      %dma_start3A_8 = tpu.memref_slice %arg3[%mul3A_2] : memref<5120xi32, #tpu.memory_space<hbm>> -> memref<160xi32, #tpu.memory_space<hbm>>
      tpu.enqueue_dma source(%dma_start3A_8 : memref<160xi32, #tpu.memory_space<hbm>>) target(%arg5 : memref<160xi32, #tpu.memory_space<vmem>>) target_semaphore(%run_scoped3A : memref<!tpu.dma_semaphore, #tpu.memory_space<semaphore_mem>>)
      %dma_wait3A_9 = tpu.memref_slice %arg3[%mul3A_2] : memref<5120xi32, #tpu.memory_space<hbm>> -> memref<160xi32, #tpu.memory_space<hbm>>
      %dma_wait3A_10 = tpu.memref_slice %arg3[%mul3A_2] : memref<5120xi32, #tpu.memory_space<hbm>> -> memref<160xi32, #tpu.memory_space<hbm>>
      tpu.wait_dma2 semaphore(%run_scoped3A : memref<!tpu.dma_semaphore, #tpu.memory_space<semaphore_mem>>) src(%dma_wait3A_10 : memref<160xi32, #tpu.memory_space<hbm>>) dst(%arg5 : memref<160xi32, #tpu.memory_space<vmem>>)
      tpu.yield
    }) : () -> ()
    %dma_start3A = arith.constant 0 : i32
    %dma_start3A_3 = arith.constant 0 : i32
    %dma_start3A_4 = tpu.memref_slice %arg2[%dma_start3A, %dma_start3A_3] : memref<5120x16xf32, #tpu.memory_space<hbm>> -> memref<5120x16xf32, #tpu.memory_space<hbm>>
    tpu.enqueue_indirect_dma source(%dma_start3A_4 : memref<5120x16xf32, #tpu.memory_space<hbm>>) target(%arg6 : memref<160x16xf32, #tpu.memory_space<vmem>>) offsets(%arg5 : memref<160xi32, #tpu.memory_space<vmem>>) semaphore(%arg7 : memref<!tpu.dma_semaphore, #tpu.memory_space<semaphore_mem>>)
    %dma_wait3A = arith.constant 0 : i32
    %dma_wait3A_5 = arith.constant 0 : i32
    %dma_wait3A_6 = tpu.memref_slice %arg2[%dma_wait3A, %dma_wait3A_5] : memref<5120x16xf32, #tpu.memory_space<hbm>> -> memref<5120x16xf32, #tpu.memory_space<hbm>>
    tpu.wait_indirect_dma semaphore(%arg7 : memref<!tpu.dma_semaphore, #tpu.memory_space<semaphore_mem>>) src(%dma_wait3A_6 : memref<5120x16xf32, #tpu.memory_space<hbm>>) dst(%arg6 : memref<160x16xf32, #tpu.memory_space<vmem>>)
    "tpu.region"() ({
      %run_scoped3A = tpu.sem_alloc : memref<!tpu.dma_semaphore, #tpu.memory_space<semaphore_mem>>
      %dma_start3A_7 = arith.constant 0 : i32
      %dma_start3A_8 = tpu.memref_slice %arg4[%mul3A_2, %dma_start3A_7] : memref<5120x16xf32, #tpu.memory_space<hbm>> -> memref<160x16xf32, #tpu.memory_space<hbm>>
      %dma_start3A_9 = arith.constant 0 : i32
      %dma_start3A_10 = tpu.memref_slice %arg4[%mul3A_2, %dma_start3A_9] : memref<5120x16xf32, #tpu.memory_space<hbm>> -> memref<160x16xf32, #tpu.memory_space<hbm>>
      tpu.enqueue_dma source(%arg6 : memref<160x16xf32, #tpu.memory_space<vmem>>) target(%dma_start3A_10 : memref<160x16xf32, #tpu.memory_space<hbm>>) target_semaphore(%run_scoped3A : memref<!tpu.dma_semaphore, #tpu.memory_space<semaphore_mem>>)
      %dma_wait3A_11 = arith.constant 0 : i32
      %dma_wait3A_12 = tpu.memref_slice %arg4[%mul3A_2, %dma_wait3A_11] : memref<5120x16xf32, #tpu.memory_space<hbm>> -> memref<160x16xf32, #tpu.memory_space<hbm>>
      %dma_wait3A_13 = arith.constant 0 : i32
      %dma_wait3A_14 = tpu.memref_slice %arg4[%mul3A_2, %dma_wait3A_13] : memref<5120x16xf32, #tpu.memory_space<hbm>> -> memref<160x16xf32, #tpu.memory_space<hbm>>
      tpu.wait_dma2 semaphore(%run_scoped3A : memref<!tpu.dma_semaphore, #tpu.memory_space<semaphore_mem>>) src(%arg6 : memref<160x16xf32, #tpu.memory_space<vmem>>) dst(%dma_wait3A_14 : memref<160x16xf32, #tpu.memory_space<hbm>>)
      tpu.yield
    }) : () -> ()
    return
  }
}

module attributes {stable_mosaic.version = 14 : i64} {
  func.func @_nms_body(%arg0: memref<16x5120xf32, #tpu.memory_space<vmem>>, %arg1: memref<5120x16xf32, #tpu.memory_space<vmem>>, %arg2: memref<256x8xf32, #tpu.memory_space<vmem>>, %arg3: memref<8x5120xf32, #tpu.memory_space<vmem>>, %arg4: memref<5120x1xf32, #tpu.memory_space<vmem>>, %arg5: memref<8x5120xf32, #tpu.memory_space<vmem>>) attributes {dimension_semantics = [], scalar_prefetch = 0 : i64, scratch_operands = 3 : i64, tpu.core_type = #tpu.core_type<tc>} {
    %iota3A = tpu.iota {dimensions = array<i32: 0>} : vector<1024x1024xi32>
    %iota3A_0 = tpu.iota {dimensions = array<i32: 1>} : vector<1024x1024xi32>
    %lt3A = arith.cmpi slt, %iota3A, %iota3A_0 : vector<1024x1024xi32>
    %convert_element_type3A = arith.extui %lt3A : vector<1024x1024xi1> to vector<1024x1024xi32>
    %convert_element_type3A_1 = arith.sitofp %convert_element_type3A : vector<1024x1024xi32> to vector<1024x1024xf32>
    %eq3A = arith.cmpi eq, %iota3A, %iota3A_0 : vector<1024x1024xi32>
    %convert_element_type3A_2 = arith.extui %eq3A : vector<1024x1024xi1> to vector<1024x1024xi32>
    %convert_element_type3A_3 = arith.sitofp %convert_element_type3A_2 : vector<1024x1024xi32> to vector<1024x1024xf32>
    %le3A = arith.cmpi sle, %iota3A, %iota3A_0 : vector<1024x1024xi32>
    %convert_element_type3A_4 = arith.extui %le3A : vector<1024x1024xi1> to vector<1024x1024xi32>
    %convert_element_type3A_5 = arith.sitofp %convert_element_type3A_4 : vector<1024x1024xi32> to vector<1024x1024xf32>
    %iota3A_6 = tpu.iota {dimensions = array<i32: 0>} : vector<256x1024xi32>
    %convert_element_type3A_7 = arith.sitofp %iota3A_6 : vector<256x1024xi32> to vector<256x1024xf32>
    %add3A = arith.constant 1.000000e+00 : f32
    %add3A_8 = vector.broadcast %add3A : f32 to vector<256x1024xf32>
    %add3A_9 = arith.addf %convert_element_type3A_7, %add3A_8 : vector<256x1024xf32>
    %broadcast_in_dim3A = arith.constant 0.000000e+00 : f32
    %broadcast_in_dim3A_10 = vector.broadcast %broadcast_in_dim3A : f32 to vector<256x8xf32>
    %swap3A = arith.constant 0 : index
    %swap3A_11 = arith.constant 0 : index
    %swap3A_12 = vector.load %arg2[%swap3A, %swap3A_11] : memref<256x8xf32, #tpu.memory_space<vmem>>, vector<256x8xf32>
    tpu.vector_store %arg2[%swap3A, %swap3A_11], %broadcast_in_dim3A_10 {strides = array<i32>} : memref<256x8xf32, #tpu.memory_space<vmem>>, vector<256x8xf32>,
    %scan3A = arith.constant 0 : i32
    %scan3A_13 = arith.constant 5 : i32
    %scan3A_14 = arith.addi %scan3A, %scan3A_13 : i32
    %scan3A_15 = arith.constant 1 : i32
    scf.for %scan3A_29 = %scan3A to %scan3A_14 step %scan3A_15  : i32 {
      %mul3A = arith.constant 1024 : i32
      %mul3A_30 = arith.muli %scan3A_29, %mul3A : i32
      %get3A = arith.index_cast %mul3A_30 : i32 to index
      %get3A_31 = arith.constant 0 : index
      %get3A_32 = vector.load %arg1[%get3A, %get3A_31] : memref<5120x16xf32, #tpu.memory_space<vmem>>, vector<1024x16xf32>
      %slice3A = vector.extract_strided_slice %get3A_32 {offsets = [0, 2], sizes = [1024, 1], strides = [1, 1]} : vector<1024x16xf32> to vector<1024x1xf32>
      %slice3A_33 = vector.extract_strided_slice %get3A_32 {offsets = [0, 0], sizes = [1024, 1], strides = [1, 1]} : vector<1024x16xf32> to vector<1024x1xf32>
      %sub3A = arith.subf %slice3A, %slice3A_33 : vector<1024x1xf32>
      %mul3A_34 = arith.constant 0.333333343 : f32
      %mul3A_35 = vector.broadcast %mul3A_34 : f32 to vector<1024x1xf32>
      %mul3A_36 = arith.mulf %mul3A_35, %sub3A : vector<1024x1xf32>
      %slice3A_37 = vector.extract_strided_slice %get3A_32 {offsets = [0, 3], sizes = [1024, 1], strides = [1, 1]} : vector<1024x16xf32> to vector<1024x1xf32>
      %slice3A_38 = vector.extract_strided_slice %get3A_32 {offsets = [0, 1], sizes = [1024, 1], strides = [1, 1]} : vector<1024x16xf32> to vector<1024x1xf32>
      %sub3A_39 = arith.subf %slice3A_37, %slice3A_38 : vector<1024x1xf32>
      %mul3A_40 = arith.mulf %mul3A_36, %sub3A_39 : vector<1024x1xf32>
      %mul3A_41 = arith.constant 1024 : i32
      %mul3A_42 = arith.muli %scan3A_29, %mul3A_41 : i32
      %swap3A_43 = arith.index_cast %mul3A_42 : i32 to index
      %swap3A_44 = arith.constant 0 : index
      %swap3A_45 = vector.load %arg4[%swap3A_43, %swap3A_44] : memref<5120x1xf32, #tpu.memory_space<vmem>>, vector<1024x1xf32>
      tpu.vector_store %arg4[%swap3A_43, %swap3A_44], %mul3A_40 {strides = array<i32>} : memref<5120x1xf32, #tpu.memory_space<vmem>>, vector<1024x1xf32>,
      %mul3A_46 = arith.constant 1024 : i32
      %mul3A_47 = arith.muli %scan3A_29, %mul3A_46 : i32
      %get3A_48 = arith.constant 0 : index
      %get3A_49 = arith.index_cast %mul3A_47 : i32 to index
      %get3A_50 = vector.load %arg0[%get3A_48, %get3A_49] : memref<16x5120xf32, #tpu.memory_space<vmem>>, vector<16x1024xf32>
      %slice3A_51 = vector.extract_strided_slice %get3A_50 {offsets = [2, 0], sizes = [1, 1024], strides = [1, 1]} : vector<16x1024xf32> to vector<1x1024xf32>
      %slice3A_52 = vector.extract_strided_slice %get3A_50 {offsets = [0, 0], sizes = [1, 1024], strides = [1, 1]} : vector<16x1024xf32> to vector<1x1024xf32>
      %sub3A_53 = arith.subf %slice3A_51, %slice3A_52 : vector<1x1024xf32>
      %mul3A_54 = arith.constant 0.333333343 : f32
      %mul3A_55 = vector.broadcast %mul3A_54 : f32 to vector<1x1024xf32>
      %mul3A_56 = arith.mulf %mul3A_55, %sub3A_53 : vector<1x1024xf32>
      %slice3A_57 = vector.extract_strided_slice %get3A_50 {offsets = [3, 0], sizes = [1, 1024], strides = [1, 1]} : vector<16x1024xf32> to vector<1x1024xf32>
      %slice3A_58 = vector.extract_strided_slice %get3A_50 {offsets = [1, 0], sizes = [1, 1024], strides = [1, 1]} : vector<16x1024xf32> to vector<1x1024xf32>
      %sub3A_59 = arith.subf %slice3A_57, %slice3A_58 : vector<1x1024xf32>
      %mul3A_60 = arith.mulf %mul3A_56, %sub3A_59 : vector<1x1024xf32>
      %mul3A_61 = arith.constant 1024 : i32
      %mul3A_62 = arith.muli %scan3A_29, %mul3A_61 : i32
      %swap3A_63 = arith.constant 0 : index
      %swap3A_64 = arith.index_cast %mul3A_62 : i32 to index
      %swap3A_65 = vector.load %arg5[%swap3A_63, %swap3A_64] : memref<8x5120xf32, #tpu.memory_space<vmem>>, vector<1x1024xf32>
      tpu.vector_store %arg5[%swap3A_63, %swap3A_64], %mul3A_60 {strides = array<i32>} : memref<8x5120xf32, #tpu.memory_space<vmem>>, vector<1x1024xf32>,
    }
    %scan3A_16 = arith.constant 5 : i32
    %broadcast_in_dim3A_17 = arith.constant 0.000000e+00 : f32
    %broadcast_in_dim3A_18 = vector.broadcast %broadcast_in_dim3A_17 : f32 to vector<8x5120xf32>
    %swap3A_19 = arith.constant 0 : index
    %swap3A_20 = arith.constant 0 : index
    %swap3A_21 = vector.load %arg3[%swap3A_19, %swap3A_20] : memref<8x5120xf32, #tpu.memory_space<vmem>>, vector<8x5120xf32>
    tpu.vector_store %arg3[%swap3A_19, %swap3A_20], %broadcast_in_dim3A_18 {strides = array<i32>} : memref<8x5120xf32, #tpu.memory_space<vmem>>, vector<8x5120xf32>,
    %scan3A_22 = arith.constant 0.000000e+00 : f32
    %scan3A_23 = arith.constant 0 : i32
    %scan3A_24 = arith.constant 5 : i32
    %scan3A_25 = arith.addi %scan3A_23, %scan3A_24 : i32
    %scan3A_26 = arith.constant 1 : i32
    %scan3A_27 = scf.for %scan3A_29 = %scan3A_23 to %scan3A_25 step %scan3A_26 iter_args(%scan3A_30 = %scan3A_22) -> (f32)  : i32 {
      %mul3A = arith.constant 1024 : i32
      %mul3A_31 = arith.muli %scan3A_29, %mul3A : i32
      %get3A = arith.constant 0 : index
      %get3A_32 = arith.index_cast %mul3A_31 : i32 to index
      %get3A_33 = vector.load %arg0[%get3A, %get3A_32] : memref<16x5120xf32, #tpu.memory_space<vmem>>, vector<16x1024xf32>
      %mul3A_34 = arith.constant 1024 : i32
      %mul3A_35 = arith.muli %scan3A_29, %mul3A_34 : i32
      %get3A_36 = arith.index_cast %mul3A_35 : i32 to index
      %get3A_37 = arith.constant 0 : index
      %get3A_38 = vector.load %arg1[%get3A_36, %get3A_37] : memref<5120x16xf32, #tpu.memory_space<vmem>>, vector<1024x16xf32>
      %slice3A = vector.extract_strided_slice %get3A_33 {offsets = [4, 0], sizes = [1, 1024], strides = [1, 1]} : vector<16x1024xf32> to vector<1x1024xf32>
      %slice3A_39 = vector.extract_strided_slice %get3A_38 {offsets = [0, 0], sizes = [1024, 1], strides = [1, 1]} : vector<1024x16xf32> to vector<1024x1xf32>
      %broadcast_in_dim3A_40 = vector.shape_cast %slice3A_39 : vector<1024x1xf32> to vector<1024x1xf32>
      %broadcast_in_dim3A_41 = vector.broadcast %broadcast_in_dim3A_40 : vector<1024x1xf32> to vector<1024x1024xf32>
      %slice3A_42 = vector.extract_strided_slice %get3A_38 {offsets = [0, 1], sizes = [1024, 1], strides = [1, 1]} : vector<1024x16xf32> to vector<1024x1xf32>
      %broadcast_in_dim3A_43 = vector.shape_cast %slice3A_42 : vector<1024x1xf32> to vector<1024x1xf32>
      %broadcast_in_dim3A_44 = vector.broadcast %broadcast_in_dim3A_43 : vector<1024x1xf32> to vector<1024x1024xf32>
      %slice3A_45 = vector.extract_strided_slice %get3A_38 {offsets = [0, 2], sizes = [1024, 1], strides = [1, 1]} : vector<1024x16xf32> to vector<1024x1xf32>
      %broadcast_in_dim3A_46 = vector.shape_cast %slice3A_45 : vector<1024x1xf32> to vector<1024x1xf32>
      %broadcast_in_dim3A_47 = vector.broadcast %broadcast_in_dim3A_46 : vector<1024x1xf32> to vector<1024x1024xf32>
      %slice3A_48 = vector.extract_strided_slice %get3A_38 {offsets = [0, 3], sizes = [1024, 1], strides = [1, 1]} : vector<1024x16xf32> to vector<1024x1xf32>
      %broadcast_in_dim3A_49 = vector.shape_cast %slice3A_48 : vector<1024x1xf32> to vector<1024x1xf32>
      %broadcast_in_dim3A_50 = vector.broadcast %broadcast_in_dim3A_49 : vector<1024x1xf32> to vector<1024x1024xf32>
      %mul3A_51 = arith.constant 1024 : i32
      %mul3A_52 = arith.muli %scan3A_29, %mul3A_51 : i32
      %get3A_53 = arith.index_cast %mul3A_52 : i32 to index
      %get3A_54 = arith.constant 0 : index
      %get3A_55 = vector.load %arg4[%get3A_53, %get3A_54] : memref<5120x1xf32, #tpu.memory_space<vmem>>, vector<1024x1xf32>
      %mul3A_56 = arith.constant 1024 : i32
      %mul3A_57 = arith.muli %scan3A_29, %mul3A_56 : i32
      %get3A_58 = arith.constant 0 : index
      %get3A_59 = arith.index_cast %mul3A_57 : i32 to index
      %get3A_60 = vector.load %arg5[%get3A_58, %get3A_59] : memref<8x5120xf32, #tpu.memory_space<vmem>>, vector<1x1024xf32>
      %broadcast_in_dim3A_61 = vector.shape_cast %get3A_55 : vector<1024x1xf32> to vector<1024x1xf32>
      %broadcast_in_dim3A_62 = vector.broadcast %broadcast_in_dim3A_61 : vector<1024x1xf32> to vector<1024x1024xf32>
      %slice3A_63 = vector.extract_strided_slice %get3A_33 {offsets = [2, 0], sizes = [1, 1024], strides = [1, 1]} : vector<16x1024xf32> to vector<1x1024xf32>
      %min3A = vector.broadcast %slice3A_63 : vector<1x1024xf32> to vector<1024x1024xf32>
      %min3A_64 = arith.minimumf %broadcast_in_dim3A_47, %min3A : vector<1024x1024xf32>
      %slice3A_65 = vector.extract_strided_slice %get3A_33 {offsets = [0, 0], sizes = [1, 1024], strides = [1, 1]} : vector<16x1024xf32> to vector<1x1024xf32>
      %max3A = vector.broadcast %slice3A_65 : vector<1x1024xf32> to vector<1024x1024xf32>
      %max3A_66 = arith.maximumf %broadcast_in_dim3A_41, %max3A : vector<1024x1024xf32>
      %sub3A = arith.subf %min3A_64, %max3A_66 : vector<1024x1024xf32>
      %slice3A_67 = vector.extract_strided_slice %get3A_33 {offsets = [3, 0], sizes = [1, 1024], strides = [1, 1]} : vector<16x1024xf32> to vector<1x1024xf32>
      %min3A_68 = vector.broadcast %slice3A_67 : vector<1x1024xf32> to vector<1024x1024xf32>
      %min3A_69 = arith.minimumf %broadcast_in_dim3A_50, %min3A_68 : vector<1024x1024xf32>
      %slice3A_70 = vector.extract_strided_slice %get3A_33 {offsets = [1, 0], sizes = [1, 1024], strides = [1, 1]} : vector<16x1024xf32> to vector<1x1024xf32>
      %max3A_71 = vector.broadcast %slice3A_70 : vector<1x1024xf32> to vector<1024x1024xf32>
      %max3A_72 = arith.maximumf %broadcast_in_dim3A_44, %max3A_71 : vector<1024x1024xf32>
      %sub3A_73 = arith.subf %min3A_69, %max3A_72 : vector<1024x1024xf32>
      %jit3A = arith.constant 0.000000e+00 : f32
      %max3A_74 = vector.broadcast %jit3A : f32 to vector<1024x1024xf32>
      %max3A_75 = arith.maximumf %max3A_74, %sub3A : vector<1024x1024xf32>
      %jit3A_76 = arith.constant 0.000000e+00 : f32
      %max3A_77 = vector.broadcast %jit3A_76 : f32 to vector<1024x1024xf32>
      %max3A_78 = arith.maximumf %max3A_77, %sub3A_73 : vector<1024x1024xf32>
      %mul3A_79 = arith.mulf %max3A_75, %max3A_78 : vector<1024x1024xf32>
      %sub3A_80 = vector.broadcast %get3A_60 : vector<1x1024xf32> to vector<1024x1024xf32>
      %sub3A_81 = arith.subf %mul3A_79, %sub3A_80 : vector<1024x1024xf32>
      %gt3A = arith.cmpf ogt, %sub3A_81, %broadcast_in_dim3A_62 : vector<1024x1024xf32>
      %jit3A_82 = arith.constant 0.000000e+00 : f32
      %broadcast_in_dim3A_83 = vector.broadcast %jit3A_82 : f32 to vector<1024x1024xf32>
      %select_n3A = arith.select %gt3A, %convert_element_type3A_1, %broadcast_in_dim3A_83 : vector<1024x1024xi1>, vector<1024x1024xf32>
      %mul3A_84 = arith.constant 1024 : i32
      %mul3A_85 = arith.muli %scan3A_29, %mul3A_84 : i32
      %get3A_86 = arith.constant 0 : index
      %get3A_87 = arith.index_cast %mul3A_85 : i32 to index
      %get3A_88 = vector.load %arg3[%get3A_86, %get3A_87] : memref<8x5120xf32, #tpu.memory_space<vmem>>, vector<1x1024xf32>
      %gt3A_89 = arith.constant 5.000000e-02 : f32
      %gt3A_90 = vector.broadcast %gt3A_89 : f32 to vector<1x1024xf32>
      %gt3A_91 = arith.cmpf ogt, %slice3A, %gt3A_90 : vector<1x1024xf32>
      %lt3A_92 = arith.constant 5.000000e-01 : f32
      %lt3A_93 = vector.broadcast %lt3A_92 : f32 to vector<1x1024xf32>
      %lt3A_94 = arith.cmpf olt, %get3A_88, %lt3A_93 : vector<1x1024xf32>
      %and3A = arith.andi %gt3A_91, %lt3A_94 : vector<1x1024xi1>
      %jit3A_95 = arith.constant 1.000000e+00 : f32
      %jit3A_96 = arith.constant 0.000000e+00 : f32
      %broadcast_in_dim3A_97 = vector.broadcast %jit3A_95 : f32 to vector<1x1024xf32>
      %broadcast_in_dim3A_98 = vector.broadcast %jit3A_96 : f32 to vector<1x1024xf32>
      %select_n3A_99 = arith.select %and3A, %broadcast_in_dim3A_97, %broadcast_in_dim3A_98 : vector<1x1024xi1>, vector<1x1024xf32>
      %while3A = arith.constant true
      %while3A_100:2 = scf.while (%while3A_158 = %select_n3A_99, %while3A_159 = %while3A) : (vector<1x1024xf32>, i1) -> (vector<1x1024xf32>, i1) {
        scf.condition(%while3A_159) %while3A_158, %while3A_159 : vector<1x1024xf32>, i1
      } do {
      ^bb0(%while3A_158: vector<1x1024xf32>, %while3A_159: i1):
        %mul3A_160 = vector.broadcast %while3A_158 : vector<1x1024xf32> to vector<1024x1024xf32>
        %mul3A_161 = arith.mulf %convert_element_type3A_3, %mul3A_160 : vector<1024x1024xf32>
        %reduce_sum3A_162 = arith.constant dense<0.000000e+00> : vector<1024xf32>
        %reduce_sum3A_163 = vector.multi_reduction <add>, %mul3A_161, %reduce_sum3A_162 [1] : vector<1024x1024xf32> to vector<1024xf32>
        %broadcast_in_dim3A_164 = vector.shape_cast %reduce_sum3A_163 : vector<1024xf32> to vector<1024x1xf32>
        %mul3A_165 = vector.broadcast %broadcast_in_dim3A_164 : vector<1024x1xf32> to vector<1024x1024xf32>
        %mul3A_166 = arith.mulf %select_n3A, %mul3A_165 : vector<1024x1024xf32>
        %reduce_max3A = arith.constant dense<0xFF800000> : vector<1024xf32>
        %reduce_max3A_167 = vector.multi_reduction <maximumf>, %mul3A_166, %reduce_max3A [0] : vector<1024x1024xf32> to vector<1024xf32>
        %broadcast_in_dim3A_168 = vector.shape_cast %reduce_max3A_167 : vector<1024xf32> to vector<1x1024xf32>
        %sub3A_169 = arith.constant 1.000000e+00 : f32
        %sub3A_170 = vector.broadcast %sub3A_169 : f32 to vector<1x1024xf32>
        %sub3A_171 = arith.subf %sub3A_170, %broadcast_in_dim3A_168 : vector<1x1024xf32>
        %mul3A_172 = arith.mulf %select_n3A_99, %sub3A_171 : vector<1x1024xf32>
        %ne3A = arith.cmpf one, %mul3A_172, %while3A_158 : vector<1x1024xf32>
        %reduce_or3A = arith.constant 1.000000e+00 : f32
        %reduce_or3A_173 = arith.constant 0.000000e+00 : f32
        %reduce_or3A_174 = vector.broadcast %reduce_or3A : f32 to vector<1x1024xf32>
        %reduce_or3A_175 = vector.broadcast %reduce_or3A_173 : f32 to vector<1x1024xf32>
        %reduce_or3A_176 = arith.select %ne3A, %reduce_or3A_174, %reduce_or3A_175 : vector<1x1024xi1>, vector<1x1024xf32>
        %reduce_or3A_177 = vector.shape_cast %reduce_or3A_176 : vector<1x1024xf32> to vector<1x1x1024xf32>
        %reduce_or3A_178 = arith.constant dense<0xFF800000> : vector<1xf32>
        %reduce_or3A_179 = vector.multi_reduction <maximumf>, %reduce_or3A_177, %reduce_or3A_178 [1, 2] : vector<1x1x1024xf32> to vector<1xf32>
        %reduce_or3A_180 = vector.shape_cast %reduce_or3A_179 : vector<1xf32> to vector<1x1x1xf32>
        %reduce_or3A_181 = vector.extract %reduce_or3A_180[0, 0, 0] : f32 from vector<1x1x1xf32>
        %reduce_or3A_182 = arith.constant 0.000000e+00 : f32
        %reduce_or3A_183 = arith.cmpf ogt, %reduce_or3A_181, %reduce_or3A_182 : f32
        scf.yield %mul3A_172, %reduce_or3A_183 : vector<1x1024xf32>, i1
      }
      %mul3A_101 = vector.broadcast %while3A_100#0 : vector<1x1024xf32> to vector<1024x1024xf32>
      %mul3A_102 = arith.mulf %convert_element_type3A_3, %mul3A_101 : vector<1024x1024xf32>
      %reduce_sum3A = arith.constant dense<0.000000e+00> : vector<1024xf32>
      %reduce_sum3A_103 = vector.multi_reduction <add>, %mul3A_102, %reduce_sum3A [1] : vector<1024x1024xf32> to vector<1024xf32>
      %broadcast_in_dim3A_104 = vector.shape_cast %reduce_sum3A_103 : vector<1024xf32> to vector<1024x1xf32>
      %gt3A_105 = arith.constant 5.000000e-01 : f32
      %gt3A_106 = vector.broadcast %gt3A_105 : f32 to vector<1024x1xf32>
      %gt3A_107 = arith.cmpf ogt, %broadcast_in_dim3A_104, %gt3A_106 : vector<1024x1xf32>
      %jit3A_108 = arith.constant 1.000000e+30 : f32
      %broadcast_in_dim3A_109 = vector.broadcast %jit3A_108 : f32 to vector<1024x1xf32>
      %select_n3A_110 = arith.select %gt3A_107, %get3A_55, %broadcast_in_dim3A_109 : vector<1024x1xi1>, vector<1024x1xf32>
      %broadcast_in_dim3A_111 = vector.shape_cast %select_n3A_110 : vector<1024x1xf32> to vector<1024x1xf32>
      %broadcast_in_dim3A_112 = vector.broadcast %broadcast_in_dim3A_111 : vector<1024x1xf32> to vector<1024x1024xf32>
      %add3A_113 = arith.constant 1 : i32
      %add3A_114 = arith.addi %scan3A_29, %add3A_113 : i32
      %while3A_115 = arith.constant 5 : i32
      %while3A_116 = arith.constant 0 : i32
      %while3A_117 = arith.subi %while3A_115, %add3A_114 : i32
      %while3A_118 = arith.addi %add3A_114, %while3A_117 : i32
      %while3A_119 = arith.constant 1 : i32
      %while3A_120 = arith.divsi %while3A_117, %while3A_119 : i32
      %while3A_121 = arith.muli %while3A_120, %while3A_119 : i32
      %while3A_122 = arith.addi %add3A_114, %while3A_121 : i32
      %while3A_123 = arith.constant 1 : i32
      %while3A_124 = scf.for %while3A_158 = %add3A_114 to %while3A_122 step %while3A_123 iter_args(%while3A_159 = %while3A_116) -> (i32)  : i32 {
        %mul3A_160 = arith.constant 1024 : i32
        %mul3A_161 = arith.muli %while3A_158, %mul3A_160 : i32
        %get3A_162 = arith.constant 0 : index
        %get3A_163 = arith.index_cast %mul3A_161 : i32 to index
        %get3A_164 = vector.load %arg0[%get3A_162, %get3A_163] : memref<16x5120xf32, #tpu.memory_space<vmem>>, vector<16x1024xf32>
        %mul3A_165 = arith.constant 1024 : i32
        %mul3A_166 = arith.muli %while3A_158, %mul3A_165 : i32
        %get3A_167 = arith.constant 0 : index
        %get3A_168 = arith.index_cast %mul3A_166 : i32 to index
        %get3A_169 = vector.load %arg5[%get3A_167, %get3A_168] : memref<8x5120xf32, #tpu.memory_space<vmem>>, vector<1x1024xf32>
        %slice3A_170 = vector.extract_strided_slice %get3A_164 {offsets = [2, 0], sizes = [1, 1024], strides = [1, 1]} : vector<16x1024xf32> to vector<1x1024xf32>
        %min3A_171 = vector.broadcast %slice3A_170 : vector<1x1024xf32> to vector<1024x1024xf32>
        %min3A_172 = arith.minimumf %broadcast_in_dim3A_47, %min3A_171 : vector<1024x1024xf32>
        %slice3A_173 = vector.extract_strided_slice %get3A_164 {offsets = [0, 0], sizes = [1, 1024], strides = [1, 1]} : vector<16x1024xf32> to vector<1x1024xf32>
        %max3A_174 = vector.broadcast %slice3A_173 : vector<1x1024xf32> to vector<1024x1024xf32>
        %max3A_175 = arith.maximumf %broadcast_in_dim3A_41, %max3A_174 : vector<1024x1024xf32>
        %sub3A_176 = arith.subf %min3A_172, %max3A_175 : vector<1024x1024xf32>
        %slice3A_177 = vector.extract_strided_slice %get3A_164 {offsets = [3, 0], sizes = [1, 1024], strides = [1, 1]} : vector<16x1024xf32> to vector<1x1024xf32>
        %min3A_178 = vector.broadcast %slice3A_177 : vector<1x1024xf32> to vector<1024x1024xf32>
        %min3A_179 = arith.minimumf %broadcast_in_dim3A_50, %min3A_178 : vector<1024x1024xf32>
        %slice3A_180 = vector.extract_strided_slice %get3A_164 {offsets = [1, 0], sizes = [1, 1024], strides = [1, 1]} : vector<16x1024xf32> to vector<1x1024xf32>
        %max3A_181 = vector.broadcast %slice3A_180 : vector<1x1024xf32> to vector<1024x1024xf32>
        %max3A_182 = arith.maximumf %broadcast_in_dim3A_44, %max3A_181 : vector<1024x1024xf32>
        %sub3A_183 = arith.subf %min3A_179, %max3A_182 : vector<1024x1024xf32>
        %jit3A_184 = arith.constant 0.000000e+00 : f32
        %max3A_185 = vector.broadcast %jit3A_184 : f32 to vector<1024x1024xf32>
        %max3A_186 = arith.maximumf %max3A_185, %sub3A_176 : vector<1024x1024xf32>
        %jit3A_187 = arith.constant 0.000000e+00 : f32
        %max3A_188 = vector.broadcast %jit3A_187 : f32 to vector<1024x1024xf32>
        %max3A_189 = arith.maximumf %max3A_188, %sub3A_183 : vector<1024x1024xf32>
        %mul3A_190 = arith.mulf %max3A_186, %max3A_189 : vector<1024x1024xf32>
        %sub3A_191 = vector.broadcast %get3A_169 : vector<1x1024xf32> to vector<1024x1024xf32>
        %sub3A_192 = arith.subf %mul3A_190, %sub3A_191 : vector<1024x1024xf32>
        %gt3A_193 = arith.cmpf ogt, %sub3A_192, %broadcast_in_dim3A_112 : vector<1024x1024xf32>
        %reduce_or3A = arith.constant 1.000000e+00 : f32
        %reduce_or3A_194 = arith.constant 0.000000e+00 : f32
        %reduce_or3A_195 = vector.broadcast %reduce_or3A : f32 to vector<1024x1024xf32>
        %reduce_or3A_196 = vector.broadcast %reduce_or3A_194 : f32 to vector<1024x1024xf32>
        %reduce_or3A_197 = arith.select %gt3A_193, %reduce_or3A_195, %reduce_or3A_196 : vector<1024x1024xi1>, vector<1024x1024xf32>
        %reduce_or3A_198 = arith.constant dense<0xFF800000> : vector<1024xf32>
        %reduce_or3A_199 = vector.multi_reduction <maximumf>, %reduce_or3A_197, %reduce_or3A_198 [0] : vector<1024x1024xf32> to vector<1024xf32>
        %reduce_or3A_200 = arith.constant 0.000000e+00 : f32
        %reduce_or3A_201 = vector.broadcast %reduce_or3A_200 : f32 to vector<1024xf32>
        %reduce_or3A_202 = arith.cmpf ogt, %reduce_or3A_199, %reduce_or3A_201 : vector<1024xf32>
        %broadcast_in_dim3A_203 = vector.shape_cast %reduce_or3A_202 : vector<1024xi1> to vector<1x1024xi1>
        %convert_element_type3A_204 = arith.extui %broadcast_in_dim3A_203 : vector<1x1024xi1> to vector<1x1024xi32>
        %convert_element_type3A_205 = arith.sitofp %convert_element_type3A_204 : vector<1x1024xi32> to vector<1x1024xf32>
        %mul3A_206 = arith.constant 1024 : i32
        %mul3A_207 = arith.muli %while3A_158, %mul3A_206 : i32
        %get3A_208 = arith.constant 0 : index
        %get3A_209 = arith.index_cast %mul3A_207 : i32 to index
        %get3A_210 = vector.load %arg3[%get3A_208, %get3A_209] : memref<8x5120xf32, #tpu.memory_space<vmem>>, vector<1x1024xf32>
        %max3A_211 = arith.maximumf %get3A_210, %convert_element_type3A_205 : vector<1x1024xf32>
        %mul3A_212 = arith.constant 1024 : i32
        %mul3A_213 = arith.muli %while3A_158, %mul3A_212 : i32
        %swap3A_214 = arith.constant 0 : index
        %swap3A_215 = arith.index_cast %mul3A_213 : i32 to index
        %swap3A_216 = vector.load %arg3[%swap3A_214, %swap3A_215] : memref<8x5120xf32, #tpu.memory_space<vmem>>, vector<1x1024xf32>
        tpu.vector_store %arg3[%swap3A_214, %swap3A_215], %max3A_211 {strides = array<i32>} : memref<8x5120xf32, #tpu.memory_space<vmem>>, vector<1x1024xf32>,
        %while3A_217 = arith.constant 0 : i32
        scf.yield %while3A_217 : i32
      }
      %while3A_125 = arith.constant 1 : i32
      %while3A_126 = scf.for %while3A_158 = %while3A_122 to %while3A_118 step %while3A_125 iter_args(%while3A_159 = %while3A_124) -> (i32)  : i32 {
        %mul3A_160 = arith.constant 1024 : i32
        %mul3A_161 = arith.muli %while3A_158, %mul3A_160 : i32
        %get3A_162 = arith.constant 0 : index
        %get3A_163 = arith.index_cast %mul3A_161 : i32 to index
        %get3A_164 = vector.load %arg0[%get3A_162, %get3A_163] : memref<16x5120xf32, #tpu.memory_space<vmem>>, vector<16x1024xf32>
        %mul3A_165 = arith.constant 1024 : i32
        %mul3A_166 = arith.muli %while3A_158, %mul3A_165 : i32
        %get3A_167 = arith.constant 0 : index
        %get3A_168 = arith.index_cast %mul3A_166 : i32 to index
        %get3A_169 = vector.load %arg5[%get3A_167, %get3A_168] : memref<8x5120xf32, #tpu.memory_space<vmem>>, vector<1x1024xf32>
        %slice3A_170 = vector.extract_strided_slice %get3A_164 {offsets = [2, 0], sizes = [1, 1024], strides = [1, 1]} : vector<16x1024xf32> to vector<1x1024xf32>
        %min3A_171 = vector.broadcast %slice3A_170 : vector<1x1024xf32> to vector<1024x1024xf32>
        %min3A_172 = arith.minimumf %broadcast_in_dim3A_47, %min3A_171 : vector<1024x1024xf32>
        %slice3A_173 = vector.extract_strided_slice %get3A_164 {offsets = [0, 0], sizes = [1, 1024], strides = [1, 1]} : vector<16x1024xf32> to vector<1x1024xf32>
        %max3A_174 = vector.broadcast %slice3A_173 : vector<1x1024xf32> to vector<1024x1024xf32>
        %max3A_175 = arith.maximumf %broadcast_in_dim3A_41, %max3A_174 : vector<1024x1024xf32>
        %sub3A_176 = arith.subf %min3A_172, %max3A_175 : vector<1024x1024xf32>
        %slice3A_177 = vector.extract_strided_slice %get3A_164 {offsets = [3, 0], sizes = [1, 1024], strides = [1, 1]} : vector<16x1024xf32> to vector<1x1024xf32>
        %min3A_178 = vector.broadcast %slice3A_177 : vector<1x1024xf32> to vector<1024x1024xf32>
        %min3A_179 = arith.minimumf %broadcast_in_dim3A_50, %min3A_178 : vector<1024x1024xf32>
        %slice3A_180 = vector.extract_strided_slice %get3A_164 {offsets = [1, 0], sizes = [1, 1024], strides = [1, 1]} : vector<16x1024xf32> to vector<1x1024xf32>
        %max3A_181 = vector.broadcast %slice3A_180 : vector<1x1024xf32> to vector<1024x1024xf32>
        %max3A_182 = arith.maximumf %broadcast_in_dim3A_44, %max3A_181 : vector<1024x1024xf32>
        %sub3A_183 = arith.subf %min3A_179, %max3A_182 : vector<1024x1024xf32>
        %jit3A_184 = arith.constant 0.000000e+00 : f32
        %max3A_185 = vector.broadcast %jit3A_184 : f32 to vector<1024x1024xf32>
        %max3A_186 = arith.maximumf %max3A_185, %sub3A_176 : vector<1024x1024xf32>
        %jit3A_187 = arith.constant 0.000000e+00 : f32
        %max3A_188 = vector.broadcast %jit3A_187 : f32 to vector<1024x1024xf32>
        %max3A_189 = arith.maximumf %max3A_188, %sub3A_183 : vector<1024x1024xf32>
        %mul3A_190 = arith.mulf %max3A_186, %max3A_189 : vector<1024x1024xf32>
        %sub3A_191 = vector.broadcast %get3A_169 : vector<1x1024xf32> to vector<1024x1024xf32>
        %sub3A_192 = arith.subf %mul3A_190, %sub3A_191 : vector<1024x1024xf32>
        %gt3A_193 = arith.cmpf ogt, %sub3A_192, %broadcast_in_dim3A_112 : vector<1024x1024xf32>
        %reduce_or3A = arith.constant 1.000000e+00 : f32
        %reduce_or3A_194 = arith.constant 0.000000e+00 : f32
        %reduce_or3A_195 = vector.broadcast %reduce_or3A : f32 to vector<1024x1024xf32>
        %reduce_or3A_196 = vector.broadcast %reduce_or3A_194 : f32 to vector<1024x1024xf32>
        %reduce_or3A_197 = arith.select %gt3A_193, %reduce_or3A_195, %reduce_or3A_196 : vector<1024x1024xi1>, vector<1024x1024xf32>
        %reduce_or3A_198 = arith.constant dense<0xFF800000> : vector<1024xf32>
        %reduce_or3A_199 = vector.multi_reduction <maximumf>, %reduce_or3A_197, %reduce_or3A_198 [0] : vector<1024x1024xf32> to vector<1024xf32>
        %reduce_or3A_200 = arith.constant 0.000000e+00 : f32
        %reduce_or3A_201 = vector.broadcast %reduce_or3A_200 : f32 to vector<1024xf32>
        %reduce_or3A_202 = arith.cmpf ogt, %reduce_or3A_199, %reduce_or3A_201 : vector<1024xf32>
        %broadcast_in_dim3A_203 = vector.shape_cast %reduce_or3A_202 : vector<1024xi1> to vector<1x1024xi1>
        %convert_element_type3A_204 = arith.extui %broadcast_in_dim3A_203 : vector<1x1024xi1> to vector<1x1024xi32>
        %convert_element_type3A_205 = arith.sitofp %convert_element_type3A_204 : vector<1x1024xi32> to vector<1x1024xf32>
        %mul3A_206 = arith.constant 1024 : i32
        %mul3A_207 = arith.muli %while3A_158, %mul3A_206 : i32
        %get3A_208 = arith.constant 0 : index
        %get3A_209 = arith.index_cast %mul3A_207 : i32 to index
        %get3A_210 = vector.load %arg3[%get3A_208, %get3A_209] : memref<8x5120xf32, #tpu.memory_space<vmem>>, vector<1x1024xf32>
        %max3A_211 = arith.maximumf %get3A_210, %convert_element_type3A_205 : vector<1x1024xf32>
        %mul3A_212 = arith.constant 1024 : i32
        %mul3A_213 = arith.muli %while3A_158, %mul3A_212 : i32
        %swap3A_214 = arith.constant 0 : index
        %swap3A_215 = arith.index_cast %mul3A_213 : i32 to index
        %swap3A_216 = vector.load %arg3[%swap3A_214, %swap3A_215] : memref<8x5120xf32, #tpu.memory_space<vmem>>, vector<1x1024xf32>
        tpu.vector_store %arg3[%swap3A_214, %swap3A_215], %max3A_211 {strides = array<i32>} : memref<8x5120xf32, #tpu.memory_space<vmem>>, vector<1x1024xf32>,
        %while3A_217 = arith.constant 0 : i32
        scf.yield %while3A_217 : i32
      }
      %dot_general3A = arith.constant dense<0.000000e+00> : vector<1x1024xf32>
      %dot_general3A_127 = tpu.matmul %while3A_100#0, %convert_element_type3A_5, %dot_general3A {dimension_numbers = #tpu.dot_dimension_numbers<[1], [0], [0], [1], [0, 0, 1, 1], [], []>, transpose_lhs_hint = false} : vector<1x1024xf32>, vector<1024x1024xf32>, vector<1x1024xf32> -> vector<1x1024xf32>
      %add3A_128 = vector.broadcast %scan3A_30 : f32 to vector<1x1024xf32>
      %add3A_129 = arith.addf %dot_general3A_127, %add3A_128 : vector<1x1024xf32>
      %eq3A_130 = vector.broadcast %add3A_129 : vector<1x1024xf32> to vector<256x1024xf32>
      %eq3A_131 = arith.cmpf oeq, %eq3A_130, %add3A_9 : vector<256x1024xf32>
      %gt3A_132 = arith.constant 5.000000e-01 : f32
      %gt3A_133 = vector.broadcast %gt3A_132 : f32 to vector<1x1024xf32>
      %gt3A_134 = arith.cmpf ogt, %while3A_100#0, %gt3A_133 : vector<1x1024xf32>
      %and3A_135 = vector.broadcast %gt3A_134 : vector<1x1024xi1> to vector<256x1024xi1>
      %and3A_136 = arith.andi %eq3A_131, %and3A_135 : vector<256x1024xi1>
      %jit3A_137 = arith.constant 1.000000e+00 : f32
      %jit3A_138 = arith.constant 0.000000e+00 : f32
      %broadcast_in_dim3A_139 = vector.broadcast %jit3A_137 : f32 to vector<256x1024xf32>
      %broadcast_in_dim3A_140 = vector.broadcast %jit3A_138 : f32 to vector<256x1024xf32>
      %select_n3A_141 = arith.select %and3A_136, %broadcast_in_dim3A_139, %broadcast_in_dim3A_140 : vector<256x1024xi1>, vector<256x1024xf32>
      %get3A_142 = arith.constant 0 : index
      %get3A_143 = arith.constant 0 : index
      %get3A_144 = vector.load %arg2[%get3A_142, %get3A_143] : memref<256x8xf32, #tpu.memory_space<vmem>>, vector<256x8xf32>
      %slice3A_145 = vector.extract_strided_slice %get3A_38 {offsets = [0, 0], sizes = [1024, 8], strides = [1, 1]} : vector<1024x16xf32> to vector<1024x8xf32>
      %dot_general3A_146 = arith.constant dense<0.000000e+00> : vector<256x8xf32>
      %dot_general3A_147 = tpu.matmul %select_n3A_141, %slice3A_145, %dot_general3A_146 {dimension_numbers = #tpu.dot_dimension_numbers<[1], [0], [0], [1], [0, 0, 1, 1], [], []>, transpose_lhs_hint = false} : vector<256x1024xf32>, vector<1024x8xf32>, vector<256x8xf32> -> vector<256x8xf32>
      %add3A_148 = arith.addf %get3A_144, %dot_general3A_147 : vector<256x8xf32>
      %swap3A_149 = arith.constant 0 : index
      %swap3A_150 = arith.constant 0 : index
      %swap3A_151 = vector.load %arg2[%swap3A_149, %swap3A_150] : memref<256x8xf32, #tpu.memory_space<vmem>>, vector<256x8xf32>
      tpu.vector_store %arg2[%swap3A_149, %swap3A_150], %add3A_148 {strides = array<i32>} : memref<256x8xf32, #tpu.memory_space<vmem>>, vector<256x8xf32>,
      %reduce_sum3A_152 = vector.shape_cast %while3A_100#0 : vector<1x1024xf32> to vector<1x1x1024xf32>
      %reduce_sum3A_153 = arith.constant dense<0.000000e+00> : vector<1xf32>
      %reduce_sum3A_154 = vector.multi_reduction <add>, %reduce_sum3A_152, %reduce_sum3A_153 [1, 2] : vector<1x1x1024xf32> to vector<1xf32>
      %reduce_sum3A_155 = vector.shape_cast %reduce_sum3A_154 : vector<1xf32> to vector<1x1x1xf32>
      %reduce_sum3A_156 = vector.extract %reduce_sum3A_155[0, 0, 0] : f32 from vector<1x1x1xf32>
      %add3A_157 = arith.addf %scan3A_30, %reduce_sum3A_156 : f32
      scf.yield %add3A_157 : f32
    }
    %scan3A_28 = arith.constant 5 : i32
    return
  }
}

</mosaic_0001>

<sc_bundles>
// kernel: kernel.4.cloned.1.call-start
scs
__scs_entry_jumppad:
0x0: {  	(pc) =	sbr.rel $0x88, $3  }
0x1: {  	(tag) =	ssettag $0x0;
	lr =	simm.s32 $0x1  }
0x2: {  	[smem:$0x3F9F] =	sst lr;
	_ =	strace $0xD0000000  }
0x3: {  	_ = 	snop  }
0x4: {  	_ = 	snop  }
0x5: {  	_ = 	snop  }
0x6: {  	_ = 	snop  }
0x7: {  	_ = 	snop  }
__scs_overlays_trampoline_lowered:
0x8: {  	[smem:$0x3FAE] =	sst s0  }
0x9: {  	[smem:$0x3FAF] =	sst s1  }
0xa: {  	[smem:$0x3FB0] =	sst s2  }
0xb: {  	[smem:$0x3FB1] =	sst s3  }
0xc: {  	[smem:$0x3FB2] =	sst s4  }
0xd: {  	[smem:$0x3FB3] =	sst s5  }
0xe: {  	[smem:$0x3FB4] =	sst s6  }
0xf: {  	[smem:$0x3FB5] =	sst s7  }
0x10: {  	[smem:$0x3FB6] =	sst s8  }
0x11: {  	[smem:$0x3FB7] =	sst s9;
	s0 =	simm.s32 @!p0 $0x0  }
0x12: {  	s1 =	sld [smem:$0x3F9D];
	s0 =	simm.s32 @p0 $0x1  }
0x13: {  	[smem:$0x3FB8] =	sst s0;
	s0 =	simm.s32 @!p1 $0x0  }
0x14: {  	s2 =	sld [smem:$0x3F9C];
	s0 =	simm.s32 @p1 $0x1  }
0x15: {  	[smem:$0x3FB9] =	sst s0;
	s0 =	simm.s32 @!p2 $0x0  }
0x16: {  	s3 =	sld [smem:$0x3FDB];
	s0 =	simm.s32 @p2 $0x1  }
0x17: {  	s4 =	simm.s32 $0x1BF5;
	[smem:$0x3FBB] =	sst s0  }
0x18: {  	s0 =	sld [smem:$0x3F9E];
	_ =	swait.ge [sflag:s4], $0x0  }
0x19: {  	s7 =	sld [smem:$0x3F9F]  }
0x1a: {  	s8 =	sadd.s32 $0xFFFFE003, lr  }
0x1b: {  	s9 =	sadd.s32 $0xFFFFFEF7, lr;
	s5 =	simm.s32 $0xFFFFFFFF;
	p2 =	slt.u32 s8, $0xFFFFF086  }
0x1c: {  	p1 =	slt.u32 s9, $0xF7A;
	s5 =	simm.s32 @!p2 $0x0  }
0x1d: {  	s5 =	simm.s32 @p1 $0x1;
	p0 =	seq.s32 s7, s2  }
0x1e: {  	s7 =	smul.u32 @!p0 $0xF7A, s2;
	p2 =	seq.s32 @!p0 s5, $0x0  }
0x1f: {  	s9 =	smul.u32 $0xF7A, s1;
	s8 =	simm.s32 @!p0 $0x1BF5;
	p2 =	por !p2, p0  }
0x20: {  	[sflag:s8] =	ssyncset.s32 @!p0 $0xFFFFF086;
	s6 =	sadd.s32 @!p0 s3, s7;
	s7 =	simm.s32 @!p0 $0x108  }
0x21: {  	s3 =	sadd.s32 s3, s9;
	s6 =	sadd.s32 @!p0 $0x88, s6;
	s7 =	simm.s32 @p2 $0x1082  }
0x22: {  	[simem:s7], [sflag:s8] =	dma.local @!p0 [hbm:s6], $0xF7A  }
0x23: {  	s9 =	sor.u32 $0xD0000000, s2;
	s6 =	simm.s32 $0x108;
	_ =	swait.ge @!p0 [sflag:s8], $0x0  }
0x24: {  	s3 =	sadd.s32 $0x88, s3;
	s6 =	simm.s32 @!p1 $0x1082;
	[sflag:s4] =	ssyncset.s32 $0xFFFFF086  }
0x25: {  	[simem:s6], [sflag:s4] =	dma.local [hbm:s3], $0xF7A  }
0x26: {  	[smem:$0x3F9F] =	sst s1;
	(tag) =	ssettag s2;
	_ =	strace s9  }
0x27: {  	s1 =	sld [smem:$0x3FAF]  }
0x28: {  	s2 =	sld [smem:$0x3FB0]  }
0x29: {  	s4 =	sld [smem:$0x3FB2]  }
0x2a: {  	p0 =	seq.s32 s5, $0x0;
	s5 =	sld [smem:$0x3FB3]  }
0x2b: {  	s6 =	sld [smem:$0x3FB4]  }
0x2c: {  	s7 =	sld [smem:$0x3FB5]  }
0x2d: {  	s3 =	simm.s32 $0x108;
	s8 =	sld [smem:$0x3FB6]  }
0x2e: {  	s3 =	simm.s32 @!p0 $0x1082;
	s9 =	sld [smem:$0x3FB7]  }
0x2f: {  	lr =	sadd.s32 s0, s3;
	s0 =	sld [smem:$0x3FAE]  }
0x30: {  	s3 =	sld [smem:$0x3FB1]  }
0x31: {  	[smem:$0x3FBA] =	sst s10  }
0x32: {  	s10 =	sld [smem:$0x3FB8];
	_ =	sdelay $0x3  }
0x33: {  	p0 =	seq.s32 s10, $0x1;
	s10 =	sld [smem:$0x3FBA];
	_ =	sdelay $0x3  }
0x34: {  	[smem:$0x3FBA] =	sst s10  }
0x35: {  	s10 =	sld [smem:$0x3FB9];
	_ =	sdelay $0x3  }
0x36: {  	p1 =	seq.s32 s10, $0x1;
	s10 =	sld [smem:$0x3FBA];
	_ =	sdelay $0x3  }
0x37: {  	[smem:$0x3FBA] =	sst s10  }
0x38: {  	s10 =	sld [smem:$0x3FBB]  }
0x39: {  	_ = 	snop;
	(pc) =	sbr.ind lr, $3  }
0x3a: {  	_ = 	snop  }
0x3b: {  	_ = 	snop  }
0x3c: {  	p2 =	seq.s32 s10, $0x1;
	s10 =	sld [smem:$0x3FBA]  }
0x3d: {  	_ =	shalt  }
0x3e: {  	_ =	shalt  }
0x3f: {  	_ =	shalt  }
0x40: {  	_ =	shalt  }
0x41: {  	_ =	shalt  }
0x42: {  	_ =	shalt  }
0x43: {  	_ =	shalt  }
0x44: {  	_ =	shalt  }
0x45: {  	_ =	shalt  }
0x46: {  	_ =	shalt  }
0x47: {  	_ =	shalt  }
0x48: {  	_ =	shalt  }
0x49: {  	_ =	shalt  }
0x4a: {  	_ =	shalt  }
0x4b: {  	_ =	shalt  }
0x4c: {  	_ =	shalt  }
0x4d: {  	_ =	shalt  }
0x4e: {  	_ =	shalt  }
0x4f: {  	_ =	shalt  }
0x50: {  	_ =	shalt  }
0x51: {  	_ =	shalt  }
0x52: {  	_ =	shalt  }
0x53: {  	_ =	shalt  }
0x54: {  	_ =	shalt  }
0x55: {  	_ =	shalt  }
0x56: {  	_ =	shalt  }
0x57: {  	_ =	shalt  }
0x58: {  	_ =	shalt  }
0x59: {  	_ =	shalt  }
0x5a: {  	_ =	shalt  }
0x5b: {  	_ =	shalt  }
0x5c: {  	_ =	shalt  }
0x5d: {  	_ =	shalt  }
0x5e: {  	_ =	shalt  }
0x5f: {  	_ =	shalt  }
0x60: {  	_ =	shalt  }
0x61: {  	_ =	shalt  }
0x62: {  	_ =	shalt  }
0x63: {  	_ =	shalt  }
0x64: {  	_ =	shalt  }
0x65: {  	_ =	shalt  }
0x66: {  	_ =	shalt  }
0x67: {  	_ =	shalt  }
0x68: {  	_ =	shalt  }
0x69: {  	_ =	shalt  }
0x6a: {  	_ =	shalt  }
0x6b: {  	_ =	shalt  }
0x6c: {  	_ =	shalt  }
0x6d: {  	_ =	shalt  }
0x6e: {  	_ =	shalt  }
0x6f: {  	_ =	shalt  }
0x70: {  	_ =	shalt  }
0x71: {  	_ =	shalt  }
0x72: {  	_ =	shalt  }
0x73: {  	_ =	shalt  }
0x74: {  	_ =	shalt  }
0x75: {  	_ =	shalt  }
0x76: {  	_ =	shalt  }
0x77: {  	_ =	shalt  }
0x78: {  	_ =	shalt  }
0x79: {  	_ =	shalt  }
0x7a: {  	_ =	shalt  }
0x7b: {  	_ =	shalt  }
0x7c: {  	_ =	shalt  }
0x7d: {  	_ =	shalt  }
0x7e: {  	_ =	shalt  }
0x7f: {  	_ =	shalt  }
0x80: {  	_ =	shalt  }
0x81: {  	_ =	shalt  }
0x82: {  	_ =	shalt  }
0x83: {  	_ =	shalt  }
0x84: {  	_ =	shalt  }
0x85: {  	_ =	shalt  }
0x86: {  	_ =	shalt  }
0x87: {  	_ =	shalt  }
.Lfunc_end0:
.L_simem_size_0:
called_computation_lowered:
.L_overlay_start_0:
0x88: {  	s2 =	sld [smem:$0x3FD9]  }
0x89: {  	s3 =	sld [smem:$0x3FFE];
	_ =	sdelay $0x1  }
0x8a: {  	s1 =	srdreg.scid  }
0x8b: {  	s0 =	sand.u32 $0x1, s1  }
0x8c: {  	s16 =	sshll.u32 s0, $0xA;
	s2 =	sadd.s32 s3, s2  }
0x8d: {  	s2 =	sadd.s32 s2, s16  }
0x8e: {  	[smem:$0x3FC6] =	sst s2  }
0x8f: {  	_ = 	snop  }
0x90: {  	(tm) =	ssettm $0x1  }
0x91: {  	s17 =	sld [smem:$0x3FFB];
	_ =	sdelay $0x3  }
0x92: {  	_ =	strace s17  }
0x93: {  	s2 =	sld [smem:$0x3FFC];
	_ =	sdelay $0x3  }
0x94: {  	_ =	strace s2  }
0x95: {  	s2 =	sld [smem:$0x3FFD];
	_ =	sdelay $0x3  }
0x96: {  	_ =	strace s2  }
0x97: {  	_ =	strace $0x8FFFFFFF  }
0x98: {  	s18 =	sld [smem:$0x3FDB];
	_ =	sdelay $0x1  }
0x99: {  	s19 =	simm.s32 $_scs_section_size  }
0x9a: {  	s4 =	simm.s32 $_size__tile_overlayer_lowered;
	s5 =	simm.s32 $_tile_overlayer_lowered  }
0x9b: {  	s22 =	simm.s32 $0x1BFF;
	s21 =	sshll.u32 s5, $0x1;
	s2 =	sadd.s32 s19, s18  }
0x9c: {  	s6 =	simm.s32 $0x0;
	s20 =	sshll.u32 s4, $0x1;
	s4 =	sadd.s32 s21, s2  }
0x9d: {  	[timem:s6], [sflag:s22] =	dma.local [hbm:s4], s20  }
0x9e: {  	_ =	swait.ge [sflag:s22], s20  }
0x9f: {  	s3 =	ssub.s32 $0x0, s20;
	[sflag:s22] =	ssyncset.done $0x0  }
0xa0: {  	[sflag:s22] =	ssyncadd.s32 s3;
	_ =	sdelay $0x1  }
0xa1: {  	s23 =	simm.s32 $0x1B8B  }
0xa2: {  	_ =	swait.ge [sflag:s23], $0x1  }
0xa3: {  	[sflag:s23] =	ssyncset.done $0x0  }
0xa4: {  	s25 =	simm.s32 $0x1B8E;
	s24 =	sld [smem:$0x3FFE];
	[sflag:s23] =	ssyncadd.s32 $0xFFFFFFFF  }
0xa5: {  	s26 =	simm.s32 $execute0_lowered;
	[smem:$0x3FD2] =	sst s25  }
0xa6: {  	s4 =	sshll.u32 s26, $0x1;
	_ =	strace $0x80000046;
	[dreg:$0x1] =	wrdreg $0xFFFFFFFF  }
0xa7: {  	s28 =	simm.s32 $_size_execute0_lowered;
	s2 =	sadd.s32 s2, s4;
	[dreg:$0x0] =	wrdreg $0x0  }
0xa8: {  	s4 =	sshll.u32 s28, $0x1;
	[dreg:$0x2] =	wrdreg s2  }
0xa9: {  	[dreg:$0x3] =	wrdreg s4  }
0xaa: {  	[dreg:$0x4] =	wrdreg $0xC0  }
0xab: {  	_ =	task [dreg:s6], $0x5FFFF  }
0xac: {  	[dreg:$0x1] =	wrdreg $0xFFFFFFFF  }
0xad: {  	[dreg:$0x0] =	wrdreg $0x60  }
0xae: {  	[dreg:$0x2] =	wrdreg s24  }
0xaf: {  	[dreg:$0x3] =	wrdreg $0x9  }
0xb0: {  	_ =	task.clear_ibuf [dreg:s6], $0x4FFFF;
	_ =	strace $0x90000046  }
0xb1: {  	s29 =	simm.s32 $0x9;
	_ =	strace $0x80000048  }
0xb2: {  	_ =	swait.ge [sflag:s29], $0x1  }
0xb3: {  	[sflag:s29] =	ssyncadd.s32 $0xFFFFFFFF  }
0xb4: {  	_ =	strace $0x90000048  }
0xb5: {  	_ =	sfence  }
0xb6: {  	s30 =	sld [smem:$0x0];
	_ =	sdelay $0x2  }
0xb7: {  	s31 =	sshll.u32 s1, $0xD;
	s1 =	sshrl.u32 s1, $0x2  }
0xb8: {  	s3 =	sand.u32 $0x4000, s31;
	s1 =	sadd.s32 s1, s30  }
0xb9: {  	s0 =	sor.u32 s3, s0;
	s1 =	sshll.u32 s1, $0x11  }
0xba: {  	s0 =	sor.u32 s1, s0  }
0xbb: {  	s0 =	sadd.s32 $0x8F2B, s0  }
0xbc: {  	[sflag:s0] =	ssyncadd.remote.s32 $0x1  }
0xbd: {  	_ =	sfence.sel $0xFFFF  }
0xbe: {  	[dreg:$0x0] =	wrdreg $0xFFFFFFFF;
	(pc) =	sbr.abs _section_cstart, $3  }
0xbf: {  	[dreg:$0x1] =	wrdreg $0xFFFFFFFF  }
0xc0: {  	_ =	task.clear_ibuf [dreg:s6], $0x2FFFF;
	_ =	strace $0x9FFFFFFF  }
0xc1: {  	(tm) =	ssettm $0x7FFFFFFF  }
tec
execute0_lowered:
.L_overlay_start_1:
0x0: {  	(tag) =	ssettag $0x1  }
0x1: {  	s1 =	srdreg.scid;
	s0 =	stileid.u32  }
0x2: {  	s6 =	sand.u32 $0x1, s1;
	s31 =	sshll.u32 s0, $0x1  }
0x3: {  	s7 =	sor.u32 s6, s31  }
0x4: {  	s2 =	rddreg [dreg:$0x0];
	s3 =	simm.s32 $0x0;
	s4 =	smul.u32 $0x14, s7  }
0x5: {  	[smem:$0x7FF] =	sst s3  }
0x6: {  	s1 =	rddreg [dreg:$0x1];
	_ =	strace $0x80000047;
	s4 =	sadd.s32 s4, s2  }
0x7: {  	s9 =	ssub.s32 $0x2, s6;
	s5 =	sadd.s32 $0x2800, s4;
	s4 =	simm.s32 $0x2  }
0x8: {  	[tilespmem:s3], [sflag:$0x2] =	stream.linear.gather [hbm4b:s5+s3], $0xA0, $0x38;
	[tilespmem:$0xAA0] =	vst v63  }
0x9: {  	s6 =	simm.s32 $0xA0;
	s10 =	sshrl.u32 s9, $0x1;
	_ =	swait.ge [sflag:s4], $0xA0  }
0xa: {  	s8 =	smul.u32 $0x140, s7;
	s9 =	ssub.s32 s9, s10;
	[sflag:s4] =	ssyncset.done $0x0  }
0xb: {  	s7 =	simm.s32 $0x1;
	s9 =	smax.u32 s9, $0x1;
	[sflag:s4] =	ssyncadd.s32 $0xFFFFFF60  }
0xc: {  	[tilespmem:s6], [sflag:$0x1] =	stream.indirect.gather [hbm4b:s2+s6], $0x10, s3, s6, $0xb8;
	[tilespmem:$0xAA0] =	vst v63  }
0xd: {  	p0 =	sne.s32 s9, $0x1;
	_ =	swait.ge [sflag:s7], $0xA00  }
.Ltmp0:
0xe: {  	s8 =	sadd.s32 s8, s2;
	[sflag:s7] =	ssyncset.done $0x0;
	(pc) =	sbr.rel @!p0 .LBB2_2-.Ltmp0, $4  }
0xf: {  	s8 =	sadd.s32 $0x2C00, s8;
	[sflag:s7] =	ssyncadd.s32 $0xFFFFF600  }
0x10: {  	[hbm4b:s8+s3] =	stream.linear.scatter [tilespmem:s6], [sflag:$0x2], $0xA00, $0x38;
	[tilespmem:$0xAA0] =	vst v63  }
0x11: {  	_ =	swait.ge [sflag:s4], $0xA00  }
0x12: {  	s9 =	sadd.s32 $0xFFFFFFFF, s9;
	[sflag:s4] =	ssyncset.done $0x0  }
.LBB2_1:
0x13: {  	p0 =	sne.s32 s9, $0x1;
	s9 =	sadd.s32 $0xFFFFFFFF, s9;
	[sflag:s4] =	ssyncadd.s32 $0xFFFFF600  }
0x14: {  	[tilespmem:s3], [sflag:$0x2] =	stream.linear.gather [hbm4b:s5+s3], $0xA0, $0x38;
	[tilespmem:$0xAA0] =	vst v63  }
0x15: {  	_ =	swait.ge [sflag:s4], $0xA0  }
0x16: {  	[sflag:s4] =	ssyncset.done $0x0  }
0x17: {  	[sflag:s4] =	ssyncadd.s32 $0xFFFFFF60  }
0x18: {  	[tilespmem:s6], [sflag:$0x1] =	stream.indirect.gather [hbm4b:s2+s6], $0x10, s3, s6, $0xb8;
	[tilespmem:$0xAA0] =	vst v63  }
0x19: {  	_ =	swait.ge [sflag:s7], $0xA00  }
.Ltmp1:
0x1a: {  	[sflag:s7] =	ssyncset.done $0x0;
	(pc) =	sbr.rel @p0 .LBB2_1-.Ltmp1, $4  }
0x1b: {  	[sflag:s7] =	ssyncadd.s32 $0xFFFFF600  }
0x1c: {  	[hbm4b:s8+s3] =	stream.linear.scatter [tilespmem:s6], [sflag:$0x2], $0xA00, $0x38;
	[tilespmem:$0xAA0] =	vst v63  }
0x1d: {  	_ =	swait.ge [sflag:s4], $0xA00  }
0x1e: {  	[sflag:s4] =	ssyncset.done $0x0  }
.LBB2_2:
0x1f: {  	[sflag:s4] =	ssyncadd.s32 $0xFFFFF600  }
0x20: {  	_ =	sfence.sel $0x180000  }
0x21: {  	[bflag:$0x0] =	sbarrier.arrive $0xFFFF  }
0x22: {  	p0 =	sne.s32 s0, $0x0;
	_ =	strace $0x90000047  }
0x23: {  	s0 =	sadd.s32 @!p0 $0x100000, s1;
	[bflag:$0x2] =	sbarrier.arrive $0xFFFF  }
0x24: {  	[sflag:s0] =	ssyncadd.tile.s32 @!p0 $0x1;
	_ =	shalt  }
.Lfunc_end2:
_tile_overlayer_lowered:
.L_overlay_start_2:
0x25: {  	(tag) =	ssettag $0x2  }
0x26: {  	s0 =	rddreg [dreg:$0x0];
	s2 =	stileid.u32  }
0x27: {  	s1 =	rddreg [dreg:$0x1];
	p0 =	sne.s32 s2, $0x0  }
0x28: {  	s3 =	rddreg [dreg:$0x2];
	[bflag:$0x3] =	sbarrier.arrive $0xFFFF;
	s2 =	simm.s32 @!p0 $0x1C02  }
0x29: {  	[timem:s3], [sflag:s2] =	dma.local @!p0 [hbm:s0], s1  }
0x2a: {  	s0 =	simm.s32 @!p0 $0x2  }
0x2b: {  	_ =	swait.ge @!p0 [sflag:s0], s1  }
0x2c: {  	s1 =	ssub.s32 @!p0 $0x0, s1;
	[sflag:s0] =	ssyncset.done @!p0 $0x0  }
0x2d: {  	[sflag:s0] =	ssyncadd.s32 @!p0 s1  }
0x2e: {  	[bflag:$0x3] =	sbarrier.arrive $0xFFFF  }
0x2f: {  	_ =	shalt  }

</sc_bundles>
